<compile_context>
chip_gen: v7x
topology: tpu7x:2x2x1
jax: 0.10.2.dev20260603
libtpu: 0.0.44.dev20260713+nightly
codegen_flags: <defaults>
</compile_context>

<pallas_src>
import functools

import jax
import jax.numpy as jnp
from jax import lax
from jax.experimental import pallas as pl
from jax.experimental.pallas import tpu as pltpu
from jax.experimental.pallas import tpu_sc as plsc

VOCAB = 1000
DIM = 1000
HALF = 512
DIM_PK = 512
DIM_PAD = 1024
BATCH = 16384

_B_TC = 12288
_B_SC = BATCH - _B_TC

_TBL_ROWS = 1000


def _pack_body(t_ref, o_pk_ref, o_tb_ref):
    t = t_ref[...]
    m = jnp.max(t, axis=1, keepdims=True)
    e = jnp.exp(t - m)
    sm = e / jnp.sum(e, axis=1, keepdims=True)
    lo = sm[:, :HALF]
    hi = jnp.concatenate(
        [sm[:, HALF:], jnp.zeros((_TBL_ROWS, 2 * HALF - DIM), jnp.float32)], axis=1
    )
    lo_r = (lax.bitcast_convert_type(lo, jnp.uint32) + jnp.uint32(0x8000)) >> 16
    hi_r = (lax.bitcast_convert_type(hi, jnp.uint32) + jnp.uint32(0x8000)) >> 16
    o_pk_ref[...] = lax.bitcast_convert_type((hi_r << 16) | lo_r, jnp.float32)
    sm_bf = jnp.concatenate(
        [
            lax.bitcast_convert_type(lo_r.astype(jnp.uint16), jnp.bfloat16),
            lax.bitcast_convert_type(hi_r.astype(jnp.uint16), jnp.bfloat16),
        ],
        axis=1,
    )
    o_tb_ref[...] = jnp.transpose(sm_bf)


def _pack_table(table):
    return pl.pallas_call(
        _pack_body,
        out_shape=[
            jax.ShapeDtypeStruct((VOCAB, DIM_PK), jnp.float32),
            jax.ShapeDtypeStruct((DIM_PAD, VOCAB), jnp.bfloat16),
        ],
    )(table)


_NC = 2
_NS = 16
_NW = _NC * _NS
_B_PER_W = _B_SC // _NW
_CHUNK = 32
_NCHUNK = _B_PER_W // _CHUNK
_NBUF = 3

_sc_mesh = plsc.VectorSubcoreMesh(core_axis_name="c", subcore_axis_name="s")


@functools.partial(
    pl.kernel,
    out_type=jax.ShapeDtypeStruct((_B_SC, DIM_PK), jnp.float32),
    mesh=_sc_mesh,
    scratch_types=[
        pltpu.VMEM((_B_PER_W,), jnp.int32),
        pltpu.VMEM((_NBUF, _CHUNK, DIM_PK), jnp.float32),
        pltpu.SemaphoreType.DMA,
        pltpu.SemaphoreType.DMA,
        pltpu.SemaphoreType.DMA,
    ],
)
def _gather_rows(table_hbm, idx_hbm, out_hbm, idx_v, rows_v, sem0, sem1, sem2):
    wid = lax.axis_index("s") * _NC + lax.axis_index("c")
    base = wid * _B_PER_W
    pltpu.sync_copy(idx_hbm.at[pl.ds(_B_TC + base, _B_PER_W)], idx_v)
    sems = (sem0, sem1, sem2)

    def start_gather(g):
        return pltpu.async_copy(
            table_hbm.at[idx_v.at[pl.ds(g * _CHUNK, _CHUNK)]],
            rows_v.at[g % _NBUF],
            sems[g % _NBUF],
        )

    copies = {g: start_gather(g) for g in range(min(_NBUF, _NCHUNK))}
    for g in range(_NCHUNK):
        copies[g].wait()
        pltpu.sync_copy(
            rows_v.at[g % _NBUF], out_hbm.at[pl.ds(base + g * _CHUNK, _CHUNK)]
        )
        if g + _NBUF < _NCHUNK:
            copies[g + _NBUF] = start_gather(g + _NBUF)


_MM_ROWS = 2048


def _mm_body(tb_ref, x_ref, o_ref):
    xb = x_ref[...]
    iota = lax.broadcasted_iota(jnp.int32, (VOCAB, _MM_ROWS), 0)
    onehot_t = (iota == xb[None, :]).astype(jnp.bfloat16)
    res = jnp.dot(tb_ref[...], onehot_t, preferred_element_type=jnp.float32)
    o_ref[...] = res[:DIM, :]


def _mm_part(table_bf, x):
    return pl.pallas_call(
        _mm_body,
        grid=(_B_TC // _MM_ROWS,),
        in_specs=[
            pl.BlockSpec((DIM_PAD, VOCAB), lambda i: (0, 0)),
            pl.BlockSpec((_MM_ROWS,), lambda i: (i,)),
        ],
        out_specs=pl.BlockSpec((DIM, _MM_ROWS), lambda i: (0, i)),
        out_shape=jax.ShapeDtypeStruct((DIM, BATCH), jnp.float32),
    )(table_bf, x)


_SM_ROWS = 2048


def _unpack_body(acc_ref, t_ref, o_ref):
    del acc_ref
    word_t = jnp.transpose(lax.bitcast_convert_type(t_ref[...], jnp.uint32))
    o_ref[:HALF, :] = lax.bitcast_convert_type(word_t << 16, jnp.float32)
    o_ref[HALF:, :] = lax.bitcast_convert_type(word_t, jnp.float32)[: DIM - HALF, :]


def _unpack_part(rows_pk, acc):
    col0 = _B_TC // _SM_ROWS
    return pl.pallas_call(
        _unpack_body,
        grid=(_B_SC // _SM_ROWS,),
        in_specs=[
            pl.BlockSpec(memory_space=pl.ANY),
            pl.BlockSpec((_SM_ROWS, DIM_PK), lambda i: (i, 0)),
        ],
        out_specs=pl.BlockSpec((DIM, _SM_ROWS), lambda i: (0, col0 + i)),
        out_shape=jax.ShapeDtypeStruct((DIM, BATCH), jnp.float32),
        input_output_aliases={0: 0},
    )(acc, rows_pk)


def kernel(x, table):
    table_pk, table_bf = _pack_table(table)
    xi = x.astype(jnp.int32)
    rows_pk = _gather_rows(table_pk, xi)
    acc = _mm_part(table_bf, xi)
    acc = _unpack_part(rows_pk, acc)
    return jnp.transpose(acc)

# --- scband reference (transcript-rebuilt; emitter-appended) ---
"""Pipeline reference for scband-model-80487687127383 (READ-ONLY COPY).

The authoritative reference and input builder live on the scoring server;
editing this copy changes nothing except your own understanding.
"""

import jax, jax.numpy as jnp
import numpy as np

VOCAB_SIZE = 1000
BATCH = 16384

def setup_inputs(seed: int = 0) -> dict:
    key = jax.random.key(seed)
    k_x, k_w = jax.random.split(key)
    x = jax.random.randint(k_x, (BATCH,), 0, VOCAB_SIZE, dtype=jnp.int64 if jax.config.jax_enable_x64 else jnp.int32)
    # nn.Embedding default init: N(0, 1)
    table = jax.random.normal(k_w, (VOCAB_SIZE, VOCAB_SIZE), dtype=jnp.float32)
    return {"x": x, "table": table}

def reference(x, table):
    # logits = embedding(x)  -> gather rows of the table
    logits = jnp.take(table, x, axis=0)
    # return F.softmax(logits, dim=1)
    return jax.nn.softmax(logits, axis=1)

if __name__ == "__main__":
    import jax
    _d = setup_inputs()
    print(jax.jit(kernel)(*tuple(_d.values())))

</pallas_src>

<mosaic_0001>
#map = affine_map<(d0, d1) -> (0, 0)>
#map1 = affine_map<(d0, d1) -> (0)>
module attributes {stable_mosaic.version = 14 : i64} {
  func.func @_gather_rows(%arg0: i32, %arg1: i32, %arg2: memref<1000x512xf32, #tpu.memory_space<hbm>>, %arg3: memref<16384xi32, #tpu.memory_space<hbm>>, %arg4: memref<4096x512xf32, #tpu.memory_space<hbm>>, %arg5: memref<128xi32, #tpu.memory_space<vmem>>, %arg6: memref<3x32x512xf32, #tpu.memory_space<vmem>>, %arg7: memref<!tpu.dma_semaphore, #tpu.memory_space<semaphore_mem>>, %arg8: memref<!tpu.dma_semaphore, #tpu.memory_space<semaphore_mem>>, %arg9: memref<!tpu.dma_semaphore, #tpu.memory_space<semaphore_mem>>) attributes {dimension_semantics = [#tpu.dimension_semantics<core_parallel>, #tpu.dimension_semantics<subcore_parallel>], iteration_bounds = array<i64: 2, 16>, scalar_prefetch = 0 : i64, scratch_operands = 5 : i64, tpu.core_type = #tpu.core_type<sc_vector_subcore>, window_params = [{transform_indices = #map}, {transform_indices = #map1}, {transform_indices = #map}]} {
    %mul3A = arith.constant 2 : i32
    %mul3A_0 = arith.muli %arg1, %mul3A : i32
    %add3A = arith.addi %mul3A_0, %arg0 : i32
    %mul3A_1 = arith.constant 128 : i32
    %mul3A_2 = arith.muli %add3A, %mul3A_1 : i32
    %add3A_3 = arith.constant 12288 : i32
    %add3A_4 = arith.addi %add3A_3, %mul3A_2 : i32
    "tpu.region"() ({
      %run_scoped3A_94 = tpu.sem_alloc : memref<!tpu.dma_semaphore, #tpu.memory_space<semaphore_mem>>
      %dma_start3A_95 = tpu.memref_slice %arg3[%add3A_4] : memref<16384xi32, #tpu.memory_space<hbm>> -> memref<128xi32, #tpu.memory_space<hbm>>
      %dma_start3A_96 = tpu.memref_slice %arg3[%add3A_4] : memref<16384xi32, #tpu.memory_space<hbm>> -> memref<128xi32, #tpu.memory_space<hbm>>
      tpu.enqueue_dma source(%dma_start3A_96 : memref<128xi32, #tpu.memory_space<hbm>>) target(%arg5 : memref<128xi32, #tpu.memory_space<vmem>>) target_semaphore(%run_scoped3A_94 : memref<!tpu.dma_semaphore, #tpu.memory_space<semaphore_mem>>)
      %dma_wait3A_97 = tpu.memref_slice %arg3[%add3A_4] : memref<16384xi32, #tpu.memory_space<hbm>> -> memref<128xi32, #tpu.memory_space<hbm>>
      %dma_wait3A_98 = tpu.memref_slice %arg3[%add3A_4] : memref<16384xi32, #tpu.memory_space<hbm>> -> memref<128xi32, #tpu.memory_space<hbm>>
      tpu.wait_dma2 semaphore(%run_scoped3A_94 : memref<!tpu.dma_semaphore, #tpu.memory_space<semaphore_mem>>) src(%dma_wait3A_98 : memref<128xi32, #tpu.memory_space<hbm>>) dst(%arg5 : memref<128xi32, #tpu.memory_space<vmem>>)
      tpu.yield
    }) : () -> ()
    %dma_start3A = arith.constant 0 : i32
    %dma_start3A_5 = arith.constant 0 : i32
    %dma_start3A_6 = arith.constant 0 : i32
    %dma_start3A_7 = tpu.memref_slice %arg6[%dma_start3A, %dma_start3A_5, %dma_start3A_6] : memref<3x32x512xf32, #tpu.memory_space<vmem>> -> memref<1x32x512xf32, #tpu.memory_space<vmem>>
    %dma_start3A_8 = tpu.memref_squeeze %dma_start3A_7 : memref<1x32x512xf32, #tpu.memory_space<vmem>> -> memref<32x512xf32, #tpu.memory_space<vmem>>
    %dma_start3A_9 = arith.constant 0 : i32
    %dma_start3A_10 = tpu.memref_slice %arg5[%dma_start3A_9] : memref<128xi32, #tpu.memory_space<vmem>> -> memref<32xi32, #tpu.memory_space<vmem>>
    %dma_start3A_11 = arith.constant 0 : i32
    %dma_start3A_12 = arith.constant 0 : i32
    %dma_start3A_13 = tpu.memref_slice %arg2[%dma_start3A_11, %dma_start3A_12] : memref<1000x512xf32, #tpu.memory_space<hbm>> -> memref<1000x512xf32, #tpu.memory_space<hbm>>
    tpu.enqueue_indirect_dma source(%dma_start3A_13 : memref<1000x512xf32, #tpu.memory_space<hbm>>) target(%dma_start3A_8 : memref<32x512xf32, #tpu.memory_space<vmem>>) offsets(%dma_start3A_10 : memref<32xi32, #tpu.memory_space<vmem>>) semaphore(%arg7 : memref<!tpu.dma_semaphore, #tpu.memory_space<semaphore_mem>>)
    %dma_start3A_14 = arith.constant 1 : i32
    %dma_start3A_15 = arith.constant 0 : i32
    %dma_start3A_16 = arith.constant 0 : i32
    %dma_start3A_17 = tpu.memref_slice %arg6[%dma_start3A_14, %dma_start3A_15, %dma_start3A_16] : memref<3x32x512xf32, #tpu.memory_space<vmem>> -> memref<1x32x512xf32, #tpu.memory_space<vmem>>
    %dma_start3A_18 = tpu.memref_squeeze %dma_start3A_17 : memref<1x32x512xf32, #tpu.memory_space<vmem>> -> memref<32x512xf32, #tpu.memory_space<vmem>>
    %dma_start3A_19 = arith.constant 32 : i32
    %dma_start3A_20 = tpu.memref_slice %arg5[%dma_start3A_19] : memref<128xi32, #tpu.memory_space<vmem>> -> memref<32xi32, #tpu.memory_space<vmem>>
    %dma_start3A_21 = arith.constant 0 : i32
    %dma_start3A_22 = arith.constant 0 : i32
    %dma_start3A_23 = tpu.memref_slice %arg2[%dma_start3A_21, %dma_start3A_22] : memref<1000x512xf32, #tpu.memory_space<hbm>> -> memref<1000x512xf32, #tpu.memory_space<hbm>>
    tpu.enqueue_indirect_dma source(%dma_start3A_23 : memref<1000x512xf32, #tpu.memory_space<hbm>>) target(%dma_start3A_18 : memref<32x512xf32, #tpu.memory_space<vmem>>) offsets(%dma_start3A_20 : memref<32xi32, #tpu.memory_space<vmem>>) semaphore(%arg8 : memref<!tpu.dma_semaphore, #tpu.memory_space<semaphore_mem>>)
    %dma_start3A_24 = arith.constant 2 : i32
    %dma_start3A_25 = arith.constant 0 : i32
    %dma_start3A_26 = arith.constant 0 : i32
    %dma_start3A_27 = tpu.memref_slice %arg6[%dma_start3A_24, %dma_start3A_25, %dma_start3A_26] : memref<3x32x512xf32, #tpu.memory_space<vmem>> -> memref<1x32x512xf32, #tpu.memory_space<vmem>>
    %dma_start3A_28 = tpu.memref_squeeze %dma_start3A_27 : memref<1x32x512xf32, #tpu.memory_space<vmem>> -> memref<32x512xf32, #tpu.memory_space<vmem>>
    %dma_start3A_29 = arith.constant 64 : i32
    %dma_start3A_30 = tpu.memref_slice %arg5[%dma_start3A_29] : memref<128xi32, #tpu.memory_space<vmem>> -> memref<32xi32, #tpu.memory_space<vmem>>
    %dma_start3A_31 = arith.constant 0 : i32
    %dma_start3A_32 = arith.constant 0 : i32
    %dma_start3A_33 = tpu.memref_slice %arg2[%dma_start3A_31, %dma_start3A_32] : memref<1000x512xf32, #tpu.memory_space<hbm>> -> memref<1000x512xf32, #tpu.memory_space<hbm>>
    tpu.enqueue_indirect_dma source(%dma_start3A_33 : memref<1000x512xf32, #tpu.memory_space<hbm>>) target(%dma_start3A_28 : memref<32x512xf32, #tpu.memory_space<vmem>>) offsets(%dma_start3A_30 : memref<32xi32, #tpu.memory_space<vmem>>) semaphore(%arg9 : memref<!tpu.dma_semaphore, #tpu.memory_space<semaphore_mem>>)
    %dma_wait3A = arith.constant 0 : i32
    %dma_wait3A_34 = arith.constant 0 : i32
    %dma_wait3A_35 = arith.constant 0 : i32
    %dma_wait3A_36 = tpu.memref_slice %arg6[%dma_wait3A, %dma_wait3A_34, %dma_wait3A_35] : memref<3x32x512xf32, #tpu.memory_space<vmem>> -> memref<1x32x512xf32, #tpu.memory_space<vmem>>
    %dma_wait3A_37 = tpu.memref_squeeze %dma_wait3A_36 : memref<1x32x512xf32, #tpu.memory_space<vmem>> -> memref<32x512xf32, #tpu.memory_space<vmem>>
    %dma_wait3A_38 = arith.constant 0 : i32
    %dma_wait3A_39 = tpu.memref_slice %arg5[%dma_wait3A_38] : memref<128xi32, #tpu.memory_space<vmem>> -> memref<32xi32, #tpu.memory_space<vmem>>
    %dma_wait3A_40 = arith.constant 0 : i32
    %dma_wait3A_41 = arith.constant 0 : i32
    %dma_wait3A_42 = tpu.memref_slice %arg2[%dma_wait3A_40, %dma_wait3A_41] : memref<1000x512xf32, #tpu.memory_space<hbm>> -> memref<1000x512xf32, #tpu.memory_space<hbm>>
    tpu.wait_indirect_dma semaphore(%arg7 : memref<!tpu.dma_semaphore, #tpu.memory_space<semaphore_mem>>) src(%dma_wait3A_42 : memref<1000x512xf32, #tpu.memory_space<hbm>>) dst(%dma_wait3A_37 : memref<32x512xf32, #tpu.memory_space<vmem>>)
    %add3A_43 = arith.constant 0 : i32
    %add3A_44 = arith.addi %mul3A_2, %add3A_43 : i32
    %run_scoped3A = arith.constant 0 : i32
    "tpu.region"() ({
      %run_scoped3A_94 = tpu.sem_alloc : memref<!tpu.dma_semaphore, #tpu.memory_space<semaphore_mem>>
      %dma_start3A_95 = arith.constant 0 : i32
      %dma_start3A_96 = arith.constant 0 : i32
      %dma_start3A_97 = tpu.memref_slice %arg6[%run_scoped3A, %dma_start3A_95, %dma_start3A_96] : memref<3x32x512xf32, #tpu.memory_space<vmem>> -> memref<1x32x512xf32, #tpu.memory_space<vmem>>
      %dma_start3A_98 = tpu.memref_squeeze %dma_start3A_97 : memref<1x32x512xf32, #tpu.memory_space<vmem>> -> memref<32x512xf32, #tpu.memory_space<vmem>>
      %dma_start3A_99 = arith.constant 0 : i32
      %dma_start3A_100 = tpu.memref_slice %arg4[%add3A_44, %dma_start3A_99] : memref<4096x512xf32, #tpu.memory_space<hbm>> -> memref<32x512xf32, #tpu.memory_space<hbm>>
      %dma_start3A_101 = arith.constant 0 : i32
      %dma_start3A_102 = tpu.memref_slice %arg4[%add3A_44, %dma_start3A_101] : memref<4096x512xf32, #tpu.memory_space<hbm>> -> memref<32x512xf32, #tpu.memory_space<hbm>>
      %dma_start3A_103 = arith.constant 0 : i32
      %dma_start3A_104 = arith.constant 0 : i32
      %dma_start3A_105 = tpu.memref_slice %arg6[%run_scoped3A, %dma_start3A_103, %dma_start3A_104] : memref<3x32x512xf32, #tpu.memory_space<vmem>> -> memref<1x32x512xf32, #tpu.memory_space<vmem>>
      %dma_start3A_106 = tpu.memref_squeeze %dma_start3A_105 : memref<1x32x512xf32, #tpu.memory_space<vmem>> -> memref<32x512xf32, #tpu.memory_space<vmem>>
      tpu.enqueue_dma source(%dma_start3A_106 : memref<32x512xf32, #tpu.memory_space<vmem>>) target(%dma_start3A_102 : memref<32x512xf32, #tpu.memory_space<hbm>>) target_semaphore(%run_scoped3A_94 : memref<!tpu.dma_semaphore, #tpu.memory_space<semaphore_mem>>)
      %dma_wait3A_107 = arith.constant 0 : i32
      %dma_wait3A_108 = arith.constant 0 : i32
      %dma_wait3A_109 = tpu.memref_slice %arg6[%run_scoped3A, %dma_wait3A_107, %dma_wait3A_108] : memref<3x32x512xf32, #tpu.memory_space<vmem>> -> memref<1x32x512xf32, #tpu.memory_space<vmem>>
      %dma_wait3A_110 = tpu.memref_squeeze %dma_wait3A_109 : memref<1x32x512xf32, #tpu.memory_space<vmem>> -> memref<32x512xf32, #tpu.memory_space<vmem>>
      %dma_wait3A_111 = arith.constant 0 : i32
      %dma_wait3A_112 = tpu.memref_slice %arg4[%add3A_44, %dma_wait3A_111] : memref<4096x512xf32, #tpu.memory_space<hbm>> -> memref<32x512xf32, #tpu.memory_space<hbm>>
      %dma_wait3A_113 = arith.constant 0 : i32
      %dma_wait3A_114 = tpu.memref_slice %arg4[%add3A_44, %dma_wait3A_113] : memref<4096x512xf32, #tpu.memory_space<hbm>> -> memref<32x512xf32, #tpu.memory_space<hbm>>
      %dma_wait3A_115 = arith.constant 0 : i32
      %dma_wait3A_116 = arith.constant 0 : i32
      %dma_wait3A_117 = tpu.memref_slice %arg6[%run_scoped3A, %dma_wait3A_115, %dma_wait3A_116] : memref<3x32x512xf32, #tpu.memory_space<vmem>> -> memref<1x32x512xf32, #tpu.memory_space<vmem>>
      %dma_wait3A_118 = tpu.memref_squeeze %dma_wait3A_117 : memref<1x32x512xf32, #tpu.memory_space<vmem>> -> memref<32x512xf32, #tpu.memory_space<vmem>>
      tpu.wait_dma2 semaphore(%run_scoped3A_94 : memref<!tpu.dma_semaphore, #tpu.memory_space<semaphore_mem>>) src(%dma_wait3A_118 : memref<32x512xf32, #tpu.memory_space<vmem>>) dst(%dma_wait3A_114 : memref<32x512xf32, #tpu.memory_space<hbm>>)
      tpu.yield
    }) : () -> ()
    %dma_start3A_45 = arith.constant 0 : i32
    %dma_start3A_46 = arith.constant 0 : i32
    %dma_start3A_47 = arith.constant 0 : i32
    %dma_start3A_48 = tpu.memref_slice %arg6[%dma_start3A_45, %dma_start3A_46, %dma_start3A_47] : memref<3x32x512xf32, #tpu.memory_space<vmem>> -> memref<1x32x512xf32, #tpu.memory_space<vmem>>
    %dma_start3A_49 = tpu.memref_squeeze %dma_start3A_48 : memref<1x32x512xf32, #tpu.memory_space<vmem>> -> memref<32x512xf32, #tpu.memory_space<vmem>>
    %dma_start3A_50 = arith.constant 96 : i32
    %dma_start3A_51 = tpu.memref_slice %arg5[%dma_start3A_50] : memref<128xi32, #tpu.memory_space<vmem>> -> memref<32xi32, #tpu.memory_space<vmem>>
    %dma_start3A_52 = arith.constant 0 : i32
    %dma_start3A_53 = arith.constant 0 : i32
    %dma_start3A_54 = tpu.memref_slice %arg2[%dma_start3A_52, %dma_start3A_53] : memref<1000x512xf32, #tpu.memory_space<hbm>> -> memref<1000x512xf32, #tpu.memory_space<hbm>>
    tpu.enqueue_indirect_dma source(%dma_start3A_54 : memref<1000x512xf32, #tpu.memory_space<hbm>>) target(%dma_start3A_49 : memref<32x512xf32, #tpu.memory_space<vmem>>) offsets(%dma_start3A_51 : memref<32xi32, #tpu.memory_space<vmem>>) semaphore(%arg7 : memref<!tpu.dma_semaphore, #tpu.memory_space<semaphore_mem>>)
    %dma_wait3A_55 = arith.constant 1 : i32
    %dma_wait3A_56 = arith.constant 0 : i32
    %dma_wait3A_57 = arith.constant 0 : i32
    %dma_wait3A_58 = tpu.memref_slice %arg6[%dma_wait3A_55, %dma_wait3A_56, %dma_wait3A_57] : memref<3x32x512xf32, #tpu.memory_space<vmem>> -> memref<1x32x512xf32, #tpu.memory_space<vmem>>
    %dma_wait3A_59 = tpu.memref_squeeze %dma_wait3A_58 : memref<1x32x512xf32, #tpu.memory_space<vmem>> -> memref<32x512xf32, #tpu.memory_space<vmem>>
    %dma_wait3A_60 = arith.constant 32 : i32
    %dma_wait3A_61 = tpu.memref_slice %arg5[%dma_wait3A_60] : memref<128xi32, #tpu.memory_space<vmem>> -> memref<32xi32, #tpu.memory_space<vmem>>
    %dma_wait3A_62 = arith.constant 0 : i32
    %dma_wait3A_63 = arith.constant 0 : i32
    %dma_wait3A_64 = tpu.memref_slice %arg2[%dma_wait3A_62, %dma_wait3A_63] : memref<1000x512xf32, #tpu.memory_space<hbm>> -> memref<1000x512xf32, #tpu.memory_space<hbm>>
    tpu.wait_indirect_dma semaphore(%arg8 : memref<!tpu.dma_semaphore, #tpu.memory_space<semaphore_mem>>) src(%dma_wait3A_64 : memref<1000x512xf32, #tpu.memory_space<hbm>>) dst(%dma_wait3A_59 : memref<32x512xf32, #tpu.memory_space<vmem>>)
    %add3A_65 = arith.constant 32 : i32
    %add3A_66 = arith.addi %mul3A_2, %add3A_65 : i32
    %run_scoped3A_67 = arith.constant 1 : i32
    "tpu.region"() ({
      %run_scoped3A_94 = tpu.sem_alloc : memref<!tpu.dma_semaphore, #tpu.memory_space<semaphore_mem>>
      %dma_start3A_95 = arith.constant 0 : i32
      %dma_start3A_96 = arith.constant 0 : i32
      %dma_start3A_97 = tpu.memref_slice %arg6[%run_scoped3A_67, %dma_start3A_95, %dma_start3A_96] : memref<3x32x512xf32, #tpu.memory_space<vmem>> -> memref<1x32x512xf32, #tpu.memory_space<vmem>>
      %dma_start3A_98 = tpu.memref_squeeze %dma_start3A_97 : memref<1x32x512xf32, #tpu.memory_space<vmem>> -> memref<32x512xf32, #tpu.memory_space<vmem>>
      %dma_start3A_99 = arith.constant 0 : i32
      %dma_start3A_100 = tpu.memref_slice %arg4[%add3A_66, %dma_start3A_99] : memref<4096x512xf32, #tpu.memory_space<hbm>> -> memref<32x512xf32, #tpu.memory_space<hbm>>
      %dma_start3A_101 = arith.constant 0 : i32
      %dma_start3A_102 = tpu.memref_slice %arg4[%add3A_66, %dma_start3A_101] : memref<4096x512xf32, #tpu.memory_space<hbm>> -> memref<32x512xf32, #tpu.memory_space<hbm>>
      %dma_start3A_103 = arith.constant 0 : i32
      %dma_start3A_104 = arith.constant 0 : i32
      %dma_start3A_105 = tpu.memref_slice %arg6[%run_scoped3A_67, %dma_start3A_103, %dma_start3A_104] : memref<3x32x512xf32, #tpu.memory_space<vmem>> -> memref<1x32x512xf32, #tpu.memory_space<vmem>>
      %dma_start3A_106 = tpu.memref_squeeze %dma_start3A_105 : memref<1x32x512xf32, #tpu.memory_space<vmem>> -> memref<32x512xf32, #tpu.memory_space<vmem>>
      tpu.enqueue_dma source(%dma_start3A_106 : memref<32x512xf32, #tpu.memory_space<vmem>>) target(%dma_start3A_102 : memref<32x512xf32, #tpu.memory_space<hbm>>) target_semaphore(%run_scoped3A_94 : memref<!tpu.dma_semaphore, #tpu.memory_space<semaphore_mem>>)
      %dma_wait3A_107 = arith.constant 0 : i32
      %dma_wait3A_108 = arith.constant 0 : i32
      %dma_wait3A_109 = tpu.memref_slice %arg6[%run_scoped3A_67, %dma_wait3A_107, %dma_wait3A_108] : memref<3x32x512xf32, #tpu.memory_space<vmem>> -> memref<1x32x512xf32, #tpu.memory_space<vmem>>
      %dma_wait3A_110 = tpu.memref_squeeze %dma_wait3A_109 : memref<1x32x512xf32, #tpu.memory_space<vmem>> -> memref<32x512xf32, #tpu.memory_space<vmem>>
      %dma_wait3A_111 = arith.constant 0 : i32
      %dma_wait3A_112 = tpu.memref_slice %arg4[%add3A_66, %dma_wait3A_111] : memref<4096x512xf32, #tpu.memory_space<hbm>> -> memref<32x512xf32, #tpu.memory_space<hbm>>
      %dma_wait3A_113 = arith.constant 0 : i32
      %dma_wait3A_114 = tpu.memref_slice %arg4[%add3A_66, %dma_wait3A_113] : memref<4096x512xf32, #tpu.memory_space<hbm>> -> memref<32x512xf32, #tpu.memory_space<hbm>>
      %dma_wait3A_115 = arith.constant 0 : i32
      %dma_wait3A_116 = arith.constant 0 : i32
      %dma_wait3A_117 = tpu.memref_slice %arg6[%run_scoped3A_67, %dma_wait3A_115, %dma_wait3A_116] : memref<3x32x512xf32, #tpu.memory_space<vmem>> -> memref<1x32x512xf32, #tpu.memory_space<vmem>>
      %dma_wait3A_118 = tpu.memref_squeeze %dma_wait3A_117 : memref<1x32x512xf32, #tpu.memory_space<vmem>> -> memref<32x512xf32, #tpu.memory_space<vmem>>
      tpu.wait_dma2 semaphore(%run_scoped3A_94 : memref<!tpu.dma_semaphore, #tpu.memory_space<semaphore_mem>>) src(%dma_wait3A_118 : memref<32x512xf32, #tpu.memory_space<vmem>>) dst(%dma_wait3A_114 : memref<32x512xf32, #tpu.memory_space<hbm>>)
      tpu.yield
    }) : () -> ()
    %dma_wait3A_68 = arith.constant 2 : i32
    %dma_wait3A_69 = arith.constant 0 : i32
    %dma_wait3A_70 = arith.constant 0 : i32
    %dma_wait3A_71 = tpu.memref_slice %arg6[%dma_wait3A_68, %dma_wait3A_69, %dma_wait3A_70] : memref<3x32x512xf32, #tpu.memory_space<vmem>> -> memref<1x32x512xf32, #tpu.memory_space<vmem>>
    %dma_wait3A_72 = tpu.memref_squeeze %dma_wait3A_71 : memref<1x32x512xf32, #tpu.memory_space<vmem>> -> memref<32x512xf32, #tpu.memory_space<vmem>>
    %dma_wait3A_73 = arith.constant 64 : i32
    %dma_wait3A_74 = tpu.memref_slice %arg5[%dma_wait3A_73] : memref<128xi32, #tpu.memory_space<vmem>> -> memref<32xi32, #tpu.memory_space<vmem>>
    %dma_wait3A_75 = arith.constant 0 : i32
    %dma_wait3A_76 = arith.constant 0 : i32
    %dma_wait3A_77 = tpu.memref_slice %arg2[%dma_wait3A_75, %dma_wait3A_76] : memref<1000x512xf32, #tpu.memory_space<hbm>> -> memref<1000x512xf32, #tpu.memory_space<hbm>>
    tpu.wait_indirect_dma semaphore(%arg9 : memref<!tpu.dma_semaphore, #tpu.memory_space<semaphore_mem>>) src(%dma_wait3A_77 : memref<1000x512xf32, #tpu.memory_space<hbm>>) dst(%dma_wait3A_72 : memref<32x512xf32, #tpu.memory_space<vmem>>)
    %add3A_78 = arith.constant 64 : i32
    %add3A_79 = arith.addi %mul3A_2, %add3A_78 : i32
    %run_scoped3A_80 = arith.constant 2 : i32
    "tpu.region"() ({
      %run_scoped3A_94 = tpu.sem_alloc : memref<!tpu.dma_semaphore, #tpu.memory_space<semaphore_mem>>
      %dma_start3A_95 = arith.constant 0 : i32
      %dma_start3A_96 = arith.constant 0 : i32
      %dma_start3A_97 = tpu.memref_slice %arg6[%run_scoped3A_80, %dma_start3A_95, %dma_start3A_96] : memref<3x32x512xf32, #tpu.memory_space<vmem>> -> memref<1x32x512xf32, #tpu.memory_space<vmem>>
      %dma_start3A_98 = tpu.memref_squeeze %dma_start3A_97 : memref<1x32x512xf32, #tpu.memory_space<vmem>> -> memref<32x512xf32, #tpu.memory_space<vmem>>
      %dma_start3A_99 = arith.constant 0 : i32
      %dma_start3A_100 = tpu.memref_slice %arg4[%add3A_79, %dma_start3A_99] : memref<4096x512xf32, #tpu.memory_space<hbm>> -> memref<32x512xf32, #tpu.memory_space<hbm>>
      %dma_start3A_101 = arith.constant 0 : i32
      %dma_start3A_102 = tpu.memref_slice %arg4[%add3A_79, %dma_start3A_101] : memref<4096x512xf32, #tpu.memory_space<hbm>> -> memref<32x512xf32, #tpu.memory_space<hbm>>
      %dma_start3A_103 = arith.constant 0 : i32
      %dma_start3A_104 = arith.constant 0 : i32
      %dma_start3A_105 = tpu.memref_slice %arg6[%run_scoped3A_80, %dma_start3A_103, %dma_start3A_104] : memref<3x32x512xf32, #tpu.memory_space<vmem>> -> memref<1x32x512xf32, #tpu.memory_space<vmem>>
      %dma_start3A_106 = tpu.memref_squeeze %dma_start3A_105 : memref<1x32x512xf32, #tpu.memory_space<vmem>> -> memref<32x512xf32, #tpu.memory_space<vmem>>
      tpu.enqueue_dma source(%dma_start3A_106 : memref<32x512xf32, #tpu.memory_space<vmem>>) target(%dma_start3A_102 : memref<32x512xf32, #tpu.memory_space<hbm>>) target_semaphore(%run_scoped3A_94 : memref<!tpu.dma_semaphore, #tpu.memory_space<semaphore_mem>>)
      %dma_wait3A_107 = arith.constant 0 : i32
      %dma_wait3A_108 = arith.constant 0 : i32
      %dma_wait3A_109 = tpu.memref_slice %arg6[%run_scoped3A_80, %dma_wait3A_107, %dma_wait3A_108] : memref<3x32x512xf32, #tpu.memory_space<vmem>> -> memref<1x32x512xf32, #tpu.memory_space<vmem>>
      %dma_wait3A_110 = tpu.memref_squeeze %dma_wait3A_109 : memref<1x32x512xf32, #tpu.memory_space<vmem>> -> memref<32x512xf32, #tpu.memory_space<vmem>>
      %dma_wait3A_111 = arith.constant 0 : i32
      %dma_wait3A_112 = tpu.memref_slice %arg4[%add3A_79, %dma_wait3A_111] : memref<4096x512xf32, #tpu.memory_space<hbm>> -> memref<32x512xf32, #tpu.memory_space<hbm>>
      %dma_wait3A_113 = arith.constant 0 : i32
      %dma_wait3A_114 = tpu.memref_slice %arg4[%add3A_79, %dma_wait3A_113] : memref<4096x512xf32, #tpu.memory_space<hbm>> -> memref<32x512xf32, #tpu.memory_space<hbm>>
      %dma_wait3A_115 = arith.constant 0 : i32
      %dma_wait3A_116 = arith.constant 0 : i32
      %dma_wait3A_117 = tpu.memref_slice %arg6[%run_scoped3A_80, %dma_wait3A_115, %dma_wait3A_116] : memref<3x32x512xf32, #tpu.memory_space<vmem>> -> memref<1x32x512xf32, #tpu.memory_space<vmem>>
      %dma_wait3A_118 = tpu.memref_squeeze %dma_wait3A_117 : memref<1x32x512xf32, #tpu.memory_space<vmem>> -> memref<32x512xf32, #tpu.memory_space<vmem>>
      tpu.wait_dma2 semaphore(%run_scoped3A_94 : memref<!tpu.dma_semaphore, #tpu.memory_space<semaphore_mem>>) src(%dma_wait3A_118 : memref<32x512xf32, #tpu.memory_space<vmem>>) dst(%dma_wait3A_114 : memref<32x512xf32, #tpu.memory_space<hbm>>)
      tpu.yield
    }) : () -> ()
    %dma_wait3A_81 = arith.constant 0 : i32
    %dma_wait3A_82 = arith.constant 0 : i32
    %dma_wait3A_83 = arith.constant 0 : i32
    %dma_wait3A_84 = tpu.memref_slice %arg6[%dma_wait3A_81, %dma_wait3A_82, %dma_wait3A_83] : memref<3x32x512xf32, #tpu.memory_space<vmem>> -> memref<1x32x512xf32, #tpu.memory_space<vmem>>
    %dma_wait3A_85 = tpu.memref_squeeze %dma_wait3A_84 : memref<1x32x512xf32, #tpu.memory_space<vmem>> -> memref<32x512xf32, #tpu.memory_space<vmem>>
    %dma_wait3A_86 = arith.constant 96 : i32
    %dma_wait3A_87 = tpu.memref_slice %arg5[%dma_wait3A_86] : memref<128xi32, #tpu.memory_space<vmem>> -> memref<32xi32, #tpu.memory_space<vmem>>
    %dma_wait3A_88 = arith.constant 0 : i32
    %dma_wait3A_89 = arith.constant 0 : i32
    %dma_wait3A_90 = tpu.memref_slice %arg2[%dma_wait3A_88, %dma_wait3A_89] : memref<1000x512xf32, #tpu.memory_space<hbm>> -> memref<1000x512xf32, #tpu.memory_space<hbm>>
    tpu.wait_indirect_dma semaphore(%arg7 : memref<!tpu.dma_semaphore, #tpu.memory_space<semaphore_mem>>) src(%dma_wait3A_90 : memref<1000x512xf32, #tpu.memory_space<hbm>>) dst(%dma_wait3A_85 : memref<32x512xf32, #tpu.memory_space<vmem>>)
    %add3A_91 = arith.constant 96 : i32
    %add3A_92 = arith.addi %mul3A_2, %add3A_91 : i32
    %run_scoped3A_93 = arith.constant 0 : i32
    "tpu.region"() ({
      %run_scoped3A_94 = tpu.sem_alloc : memref<!tpu.dma_semaphore, #tpu.memory_space<semaphore_mem>>
      %dma_start3A_95 = arith.constant 0 : i32
      %dma_start3A_96 = arith.constant 0 : i32
      %dma_start3A_97 = tpu.memref_slice %arg6[%run_scoped3A_93, %dma_start3A_95, %dma_start3A_96] : memref<3x32x512xf32, #tpu.memory_space<vmem>> -> memref<1x32x512xf32, #tpu.memory_space<vmem>>
      %dma_start3A_98 = tpu.memref_squeeze %dma_start3A_97 : memref<1x32x512xf32, #tpu.memory_space<vmem>> -> memref<32x512xf32, #tpu.memory_space<vmem>>
      %dma_start3A_99 = arith.constant 0 : i32
      %dma_start3A_100 = tpu.memref_slice %arg4[%add3A_92, %dma_start3A_99] : memref<4096x512xf32, #tpu.memory_space<hbm>> -> memref<32x512xf32, #tpu.memory_space<hbm>>
      %dma_start3A_101 = arith.constant 0 : i32
      %dma_start3A_102 = tpu.memref_slice %arg4[%add3A_92, %dma_start3A_101] : memref<4096x512xf32, #tpu.memory_space<hbm>> -> memref<32x512xf32, #tpu.memory_space<hbm>>
      %dma_start3A_103 = arith.constant 0 : i32
      %dma_start3A_104 = arith.constant 0 : i32
      %dma_start3A_105 = tpu.memref_slice %arg6[%run_scoped3A_93, %dma_start3A_103, %dma_start3A_104] : memref<3x32x512xf32, #tpu.memory_space<vmem>> -> memref<1x32x512xf32, #tpu.memory_space<vmem>>
      %dma_start3A_106 = tpu.memref_squeeze %dma_start3A_105 : memref<1x32x512xf32, #tpu.memory_space<vmem>> -> memref<32x512xf32, #tpu.memory_space<vmem>>
      tpu.enqueue_dma source(%dma_start3A_106 : memref<32x512xf32, #tpu.memory_space<vmem>>) target(%dma_start3A_102 : memref<32x512xf32, #tpu.memory_space<hbm>>) target_semaphore(%run_scoped3A_94 : memref<!tpu.dma_semaphore, #tpu.memory_space<semaphore_mem>>)
      %dma_wait3A_107 = arith.constant 0 : i32
      %dma_wait3A_108 = arith.constant 0 : i32
      %dma_wait3A_109 = tpu.memref_slice %arg6[%run_scoped3A_93, %dma_wait3A_107, %dma_wait3A_108] : memref<3x32x512xf32, #tpu.memory_space<vmem>> -> memref<1x32x512xf32, #tpu.memory_space<vmem>>
      %dma_wait3A_110 = tpu.memref_squeeze %dma_wait3A_109 : memref<1x32x512xf32, #tpu.memory_space<vmem>> -> memref<32x512xf32, #tpu.memory_space<vmem>>
      %dma_wait3A_111 = arith.constant 0 : i32
      %dma_wait3A_112 = tpu.memref_slice %arg4[%add3A_92, %dma_wait3A_111] : memref<4096x512xf32, #tpu.memory_space<hbm>> -> memref<32x512xf32, #tpu.memory_space<hbm>>
      %dma_wait3A_113 = arith.constant 0 : i32
      %dma_wait3A_114 = tpu.memref_slice %arg4[%add3A_92, %dma_wait3A_113] : memref<4096x512xf32, #tpu.memory_space<hbm>> -> memref<32x512xf32, #tpu.memory_space<hbm>>
      %dma_wait3A_115 = arith.constant 0 : i32
      %dma_wait3A_116 = arith.constant 0 : i32
      %dma_wait3A_117 = tpu.memref_slice %arg6[%run_scoped3A_93, %dma_wait3A_115, %dma_wait3A_116] : memref<3x32x512xf32, #tpu.memory_space<vmem>> -> memref<1x32x512xf32, #tpu.memory_space<vmem>>
      %dma_wait3A_118 = tpu.memref_squeeze %dma_wait3A_117 : memref<1x32x512xf32, #tpu.memory_space<vmem>> -> memref<32x512xf32, #tpu.memory_space<vmem>>
      tpu.wait_dma2 semaphore(%run_scoped3A_94 : memref<!tpu.dma_semaphore, #tpu.memory_space<semaphore_mem>>) src(%dma_wait3A_118 : memref<32x512xf32, #tpu.memory_space<vmem>>) dst(%dma_wait3A_114 : memref<32x512xf32, #tpu.memory_space<hbm>>)
      tpu.yield
    }) : () -> ()
    return
  }
}

module attributes {stable_mosaic.version = 14 : i64} {
  func.func @_pack_body(%arg0: memref<1000x1000xf32, #tpu.memory_space<vmem>>, %arg1: memref<1000x512xf32, #tpu.memory_space<vmem>>, %arg2: memref<1024x1000xbf16, #tpu.memory_space<vmem>>) attributes {dimension_semantics = [], scalar_prefetch = 0 : i64, scratch_operands = 0 : i64, tpu.core_type = #tpu.core_type<tc>} {
    %get3A = arith.constant 0 : index
    %get3A_0 = arith.constant 0 : index
    %get3A_1 = vector.load %arg0[%get3A, %get3A_0] : memref<1000x1000xf32, #tpu.memory_space<vmem>>, vector<1000x1000xf32>
    %reduce_max3A = arith.constant dense<0xFF800000> : vector<1000xf32>
    %reduce_max3A_2 = vector.multi_reduction <maximumf>, %get3A_1, %reduce_max3A [1] : vector<1000x1000xf32> to vector<1000xf32>
    %broadcast_in_dim3A = vector.shape_cast %reduce_max3A_2 : vector<1000xf32> to vector<1000x1xf32>
    %sub3A = vector.broadcast %broadcast_in_dim3A : vector<1000x1xf32> to vector<1000x1000xf32>
    %sub3A_3 = arith.subf %get3A_1, %sub3A : vector<1000x1000xf32>
    %exp3A = math.exp %sub3A_3 : vector<1000x1000xf32>
    %reduce_sum3A = arith.constant dense<0.000000e+00> : vector<1000xf32>
    %reduce_sum3A_4 = vector.multi_reduction <add>, %exp3A, %reduce_sum3A [1] : vector<1000x1000xf32> to vector<1000xf32>
    %broadcast_in_dim3A_5 = vector.shape_cast %reduce_sum3A_4 : vector<1000xf32> to vector<1000x1xf32>
    %div3A = vector.broadcast %broadcast_in_dim3A_5 : vector<1000x1xf32> to vector<1000x1000xf32>
    %div3A_6 = arith.divf %exp3A, %div3A : vector<1000x1000xf32>
    %slice3A = vector.extract_strided_slice %div3A_6 {offsets = [0, 0], sizes = [1000, 512], strides = [1, 1]} : vector<1000x1000xf32> to vector<1000x512xf32>
    %slice3A_7 = vector.extract_strided_slice %div3A_6 {offsets = [0, 512], sizes = [1000, 488], strides = [1, 1]} : vector<1000x1000xf32> to vector<1000x488xf32>
    %broadcast_in_dim3A_8 = arith.constant 0.000000e+00 : f32
    %broadcast_in_dim3A_9 = vector.broadcast %broadcast_in_dim3A_8 : f32 to vector<1000x24xf32>
    %concatenate3A = tpu.concatenate %slice3A_7, %broadcast_in_dim3A_9 in 1 : vector<1000x488xf32>, vector<1000x24xf32> -> vector<1000x512xf32>
    %bitcast_convert_type3A = tpu.bitcast %slice3A : vector<1000x512xf32> -> vector<1000x512xi32>
    %add3A = arith.constant 32768 : i32
    %add3A_10 = vector.broadcast %add3A : i32 to vector<1000x512xi32>
    %add3A_11 = arith.addi %bitcast_convert_type3A, %add3A_10 : vector<1000x512xi32>
    %shift_right_logical3A = arith.constant 16 : i32
    %shift_right_logical3A_12 = vector.broadcast %shift_right_logical3A : i32 to vector<1000x512xi32>
    %shift_right_logical3A_13 = arith.shrui %add3A_11, %shift_right_logical3A_12 : vector<1000x512xi32>
    %bitcast_convert_type3A_14 = tpu.bitcast %concatenate3A : vector<1000x512xf32> -> vector<1000x512xi32>
    %add3A_15 = arith.constant 32768 : i32
    %add3A_16 = vector.broadcast %add3A_15 : i32 to vector<1000x512xi32>
    %add3A_17 = arith.addi %bitcast_convert_type3A_14, %add3A_16 : vector<1000x512xi32>
    %shift_right_logical3A_18 = arith.constant 16 : i32
    %shift_right_logical3A_19 = vector.broadcast %shift_right_logical3A_18 : i32 to vector<1000x512xi32>
    %shift_right_logical3A_20 = arith.shrui %add3A_17, %shift_right_logical3A_19 : vector<1000x512xi32>
    %shift_left3A = arith.constant 16 : i32
    %shift_left3A_21 = vector.broadcast %shift_left3A : i32 to vector<1000x512xi32>
    %shift_left3A_22 = arith.shli %shift_right_logical3A_20, %shift_left3A_21 : vector<1000x512xi32>
    %or3A = arith.ori %shift_left3A_22, %shift_right_logical3A_13 : vector<1000x512xi32>
    %bitcast_convert_type3A_23 = tpu.bitcast %or3A : vector<1000x512xi32> -> vector<1000x512xf32>
    %swap3A = arith.constant 0 : index
    %swap3A_24 = arith.constant 0 : index
    %swap3A_25 = vector.load %arg1[%swap3A, %swap3A_24] : memref<1000x512xf32, #tpu.memory_space<vmem>>, vector<1000x512xf32>
    tpu.vector_store %arg1[%swap3A, %swap3A_24], %bitcast_convert_type3A_23 {strides = array<i32>} : memref<1000x512xf32, #tpu.memory_space<vmem>>, vector<1000x512xf32>,
    %convert_element_type3A = arith.trunci %shift_right_logical3A_13 : vector<1000x512xi32> to vector<1000x512xi16>
    %bitcast_convert_type3A_26 = tpu.bitcast %convert_element_type3A : vector<1000x512xi16> -> vector<1000x512xbf16>
    %convert_element_type3A_27 = arith.trunci %shift_right_logical3A_20 : vector<1000x512xi32> to vector<1000x512xi16>
    %bitcast_convert_type3A_28 = tpu.bitcast %convert_element_type3A_27 : vector<1000x512xi16> -> vector<1000x512xbf16>
    %concatenate3A_29 = tpu.concatenate %bitcast_convert_type3A_26, %bitcast_convert_type3A_28 in 1 : vector<1000x512xbf16>, vector<1000x512xbf16> -> vector<1000x1024xbf16>
    %transpose3A = tpu.transpose %concatenate3A_29, [1, 0] : vector<1000x1024xbf16> -> vector<1024x1000xbf16>
    %swap3A_30 = arith.constant 0 : index
    %swap3A_31 = arith.constant 0 : index
    %swap3A_32 = vector.load %arg2[%swap3A_30, %swap3A_31] : memref<1024x1000xbf16, #tpu.memory_space<vmem>>, vector<1024x1000xbf16>
    tpu.vector_store %arg2[%swap3A_30, %swap3A_31], %transpose3A {strides = array<i32>} : memref<1024x1000xbf16, #tpu.memory_space<vmem>>, vector<1024x1000xbf16>,
    return
  }
}

module attributes {stable_mosaic.version = 14 : i64} {
  func.func @_mm_body(%arg0: i32, %arg1: memref<1024x1000xbf16, #tpu.memory_space<vmem>>, %arg2: memref<2048xi32, #tpu.memory_space<vmem>>, %arg3: memref<1000x2048xf32, #tpu.memory_space<vmem>>) attributes {dimension_semantics = [#tpu.dimension_semantics<arbitrary>], iteration_bounds = array<i64: 6>, scalar_prefetch = 0 : i64, scratch_operands = 0 : i64, tpu.core_type = #tpu.core_type<tc>, window_params = [{pipeline_mode = #tpu.pipeline_mode<synchronous>, transform_indices = @transform_0, window_bounds = array<i64: 1024, 1000>}, {transform_indices = @transform_1, window_bounds = array<i64: 2048>}, {transform_indices = @transform_2, window_bounds = array<i64: 1000, 2048>}]} {
    %get3A = arith.constant 0 : index
    %get3A_0 = vector.load %arg2[%get3A] : memref<2048xi32, #tpu.memory_space<vmem>>, vector<2048xi32>
    %iota3A = tpu.iota {dimensions = array<i32: 0>} : vector<1000x2048xi32>
    %broadcast_in_dim3A = vector.shape_cast %get3A_0 : vector<2048xi32> to vector<1x2048xi32>
    %eq3A = vector.broadcast %broadcast_in_dim3A : vector<1x2048xi32> to vector<1000x2048xi32>
    %eq3A_1 = arith.cmpi eq, %iota3A, %eq3A : vector<1000x2048xi32>
    %convert_element_type3A = arith.extui %eq3A_1 : vector<1000x2048xi1> to vector<1000x2048xi32>
    %convert_element_type3A_2 = arith.sitofp %convert_element_type3A : vector<1000x2048xi32> to vector<1000x2048xf32>
    %convert_element_type3A_3 = arith.truncf %convert_element_type3A_2 : vector<1000x2048xf32> to vector<1000x2048xbf16>
    %get3A_4 = arith.constant 0 : index
    %get3A_5 = arith.constant 0 : index
    %get3A_6 = vector.load %arg1[%get3A_4, %get3A_5] : memref<1024x1000xbf16, #tpu.memory_space<vmem>>, vector<1024x1000xbf16>
    %dot_general3A = arith.constant dense<0.000000e+00> : vector<1024x2048xf32>
    %dot_general3A_7 = tpu.matmul %get3A_6, %convert_element_type3A_3, %dot_general3A {dimension_numbers = #tpu.dot_dimension_numbers<[1], [0], [0], [1], [0, 0, 1, 1], [], []>, transpose_lhs_hint = false} : vector<1024x1000xbf16>, vector<1000x2048xbf16>, vector<1024x2048xf32> -> vector<1024x2048xf32>
    %slice3A = vector.extract_strided_slice %dot_general3A_7 {offsets = [0, 0], sizes = [1000, 2048], strides = [1, 1]} : vector<1024x2048xf32> to vector<1000x2048xf32>
    %swap3A = arith.constant 0 : index
    %swap3A_8 = arith.constant 0 : index
    %swap3A_9 = vector.load %arg3[%swap3A, %swap3A_8] : memref<1000x2048xf32, #tpu.memory_space<vmem>>, vector<1000x2048xf32>
    tpu.vector_store %arg3[%swap3A, %swap3A_8], %slice3A {strides = array<i32>} : memref<1000x2048xf32, #tpu.memory_space<vmem>>, vector<1000x2048xf32>,
    return
  }
  func.func @transform_0(%arg0: i32) -> (i32, i32) {
    %c0_i32 = arith.constant 0 : i32
    %c0_i32_0 = arith.constant 0 : i32
    %c0_i32_1 = arith.constant 0 : i32
    return %c0_i32, %c0_i32_0 : i32, i32
  }
  func.func @transform_1(%arg0: i32) -> i32 {
    %c0_i32 = arith.constant 0 : i32
    return %arg0 : i32
  }
  func.func @transform_2(%arg0: i32) -> (i32, i32) {
    %c0_i32 = arith.constant 0 : i32
    %c0_i32_0 = arith.constant 0 : i32
    return %c0_i32, %arg0 : i32, i32
  }
}

module attributes {stable_mosaic.version = 14 : i64} {
  func.func @_unpack_body(%arg0: i32, %arg1: memref<1000x16384xf32, #tpu.memory_space<any>>, %arg2: memref<2048x512xf32, #tpu.memory_space<vmem>>, %arg3: memref<1000x2048xf32, #tpu.memory_space<vmem>>) attributes {dimension_semantics = [#tpu.dimension_semantics<arbitrary>], iteration_bounds = array<i64: 2>, scalar_prefetch = 0 : i64, scratch_operands = 0 : i64, tpu.core_type = #tpu.core_type<tc>, window_params = [{}, {transform_indices = @transform_1, window_bounds = array<i64: 2048, 512>}, {transform_indices = @transform_2, window_bounds = array<i64: 1000, 2048>}]} {
    %get3A = arith.constant 0 : index
    %get3A_0 = arith.constant 0 : index
    %get3A_1 = vector.load %arg2[%get3A, %get3A_0] : memref<2048x512xf32, #tpu.memory_space<vmem>>, vector<2048x512xf32>
    %bitcast_convert_type3A = tpu.bitcast %get3A_1 : vector<2048x512xf32> -> vector<2048x512xi32>
    %transpose3A = tpu.transpose %bitcast_convert_type3A, [1, 0] : vector<2048x512xi32> -> vector<512x2048xi32>
    %shift_left3A = arith.constant 16 : i32
    %shift_left3A_2 = vector.broadcast %shift_left3A : i32 to vector<512x2048xi32>
    %shift_left3A_3 = arith.shli %transpose3A, %shift_left3A_2 : vector<512x2048xi32>
    %bitcast_convert_type3A_4 = tpu.bitcast %shift_left3A_3 : vector<512x2048xi32> -> vector<512x2048xf32>
    %swap3A = arith.constant 0 : index
    %swap3A_5 = arith.constant 0 : index
    %swap3A_6 = vector.load %arg3[%swap3A, %swap3A_5] : memref<1000x2048xf32, #tpu.memory_space<vmem>>, vector<512x2048xf32>
    tpu.vector_store %arg3[%swap3A, %swap3A_5], %bitcast_convert_type3A_4 {strides = array<i32>} : memref<1000x2048xf32, #tpu.memory_space<vmem>>, vector<512x2048xf32>,
    %bitcast_convert_type3A_7 = tpu.bitcast %transpose3A : vector<512x2048xi32> -> vector<512x2048xf32>
    %slice3A = vector.extract_strided_slice %bitcast_convert_type3A_7 {offsets = [0, 0], sizes = [488, 2048], strides = [1, 1]} : vector<512x2048xf32> to vector<488x2048xf32>
    %swap3A_8 = arith.constant 512 : index
    %swap3A_9 = arith.constant 0 : index
    %swap3A_10 = vector.load %arg3[%swap3A_8, %swap3A_9] : memref<1000x2048xf32, #tpu.memory_space<vmem>>, vector<488x2048xf32>
    tpu.vector_store %arg3[%swap3A_8, %swap3A_9], %slice3A {strides = array<i32>} : memref<1000x2048xf32, #tpu.memory_space<vmem>>, vector<488x2048xf32>,
    return
  }
  func.func @transform_1(%arg0: i32) -> (i32, i32) {
    %c0_i32 = arith.constant 0 : i32
    %c0_i32_0 = arith.constant 0 : i32
    return %arg0, %c0_i32 : i32, i32
  }
  func.func @transform_2(%arg0: i32) -> (i32, i32) {
    %add3A = arith.constant 6 : i32
    %add3A_0 = arith.addi %add3A, %arg0 : i32
    %c0_i32 = arith.constant 0 : i32
    %c0_i32_1 = arith.constant 0 : i32
    return %c0_i32, %add3A_0 : i32, i32
  }
}

</mosaic_0001>

<sc_bundles>
// kernel: kernel.6.cloned.1.call-start
scs
__scs_entry_jumppad:
0x0: {  	(pc) =	sbr.rel $0x88, $3  }
0x1: {  	(tag) =	ssettag $0x0;
	lr =	simm.s32 $0x1  }
0x2: {  	[smem:$0x3F9F] =	sst lr;
	_ =	strace $0xD0000000  }
0x3: {  	_ = 	snop  }
0x4: {  	_ = 	snop  }
0x5: {  	_ = 	snop  }
0x6: {  	_ = 	snop  }
0x7: {  	_ = 	snop  }
__scs_overlays_trampoline_lowered:
0x8: {  	[smem:$0x3FAE] =	sst s0  }
0x9: {  	[smem:$0x3FAF] =	sst s1  }
0xa: {  	[smem:$0x3FB0] =	sst s2  }
0xb: {  	[smem:$0x3FB1] =	sst s3  }
0xc: {  	[smem:$0x3FB2] =	sst s4  }
0xd: {  	[smem:$0x3FB3] =	sst s5  }
0xe: {  	[smem:$0x3FB4] =	sst s6  }
0xf: {  	[smem:$0x3FB5] =	sst s7  }
0x10: {  	[smem:$0x3FB6] =	sst s8  }
0x11: {  	[smem:$0x3FB7] =	sst s9;
	s0 =	simm.s32 @!p0 $0x0  }
0x12: {  	s1 =	sld [smem:$0x3F9D];
	s0 =	simm.s32 @p0 $0x1  }
0x13: {  	[smem:$0x3FB8] =	sst s0;
	s0 =	simm.s32 @!p1 $0x0  }
0x14: {  	s2 =	sld [smem:$0x3F9C];
	s0 =	simm.s32 @p1 $0x1  }
0x15: {  	[smem:$0x3FB9] =	sst s0;
	s0 =	simm.s32 @!p2 $0x0  }
0x16: {  	s3 =	sld [smem:$0x3FDB];
	s0 =	simm.s32 @p2 $0x1  }
0x17: {  	s4 =	simm.s32 $0x1BF5;
	[smem:$0x3FBB] =	sst s0  }
0x18: {  	s0 =	sld [smem:$0x3F9E];
	_ =	swait.ge [sflag:s4], $0x0  }
0x19: {  	s7 =	sld [smem:$0x3F9F]  }
0x1a: {  	s8 =	sadd.s32 $0xFFFFE003, lr  }
0x1b: {  	s9 =	sadd.s32 $0xFFFFFEF7, lr;
	s5 =	simm.s32 $0xFFFFFFFF;
	p2 =	slt.u32 s8, $0xFFFFF086  }
0x1c: {  	p1 =	slt.u32 s9, $0xF7A;
	s5 =	simm.s32 @!p2 $0x0  }
0x1d: {  	s5 =	simm.s32 @p1 $0x1;
	p0 =	seq.s32 s7, s2  }
0x1e: {  	s7 =	smul.u32 @!p0 $0xF7A, s2;
	p2 =	seq.s32 @!p0 s5, $0x0  }
0x1f: {  	s9 =	smul.u32 $0xF7A, s1;
	s8 =	simm.s32 @!p0 $0x1BF5;
	p2 =	por !p2, p0  }
0x20: {  	[sflag:s8] =	ssyncset.s32 @!p0 $0xFFFFF086;
	s6 =	sadd.s32 @!p0 s3, s7;
	s7 =	simm.s32 @!p0 $0x108  }
0x21: {  	s3 =	sadd.s32 s3, s9;
	s6 =	sadd.s32 @!p0 $0x88, s6;
	s7 =	simm.s32 @p2 $0x1082  }
0x22: {  	[simem:s7], [sflag:s8] =	dma.local @!p0 [hbm:s6], $0xF7A  }
0x23: {  	s9 =	sor.u32 $0xD0000000, s2;
	s6 =	simm.s32 $0x108;
	_ =	swait.ge @!p0 [sflag:s8], $0x0  }
0x24: {  	s3 =	sadd.s32 $0x88, s3;
	s6 =	simm.s32 @!p1 $0x1082;
	[sflag:s4] =	ssyncset.s32 $0xFFFFF086  }
0x25: {  	[simem:s6], [sflag:s4] =	dma.local [hbm:s3], $0xF7A  }
0x26: {  	[smem:$0x3F9F] =	sst s1;
	(tag) =	ssettag s2;
	_ =	strace s9  }
0x27: {  	s1 =	sld [smem:$0x3FAF]  }
0x28: {  	s2 =	sld [smem:$0x3FB0]  }
0x29: {  	s4 =	sld [smem:$0x3FB2]  }
0x2a: {  	p0 =	seq.s32 s5, $0x0;
	s5 =	sld [smem:$0x3FB3]  }
0x2b: {  	s6 =	sld [smem:$0x3FB4]  }
0x2c: {  	s7 =	sld [smem:$0x3FB5]  }
0x2d: {  	s3 =	simm.s32 $0x108;
	s8 =	sld [smem:$0x3FB6]  }
0x2e: {  	s3 =	simm.s32 @!p0 $0x1082;
	s9 =	sld [smem:$0x3FB7]  }
0x2f: {  	lr =	sadd.s32 s0, s3;
	s0 =	sld [smem:$0x3FAE]  }
0x30: {  	s3 =	sld [smem:$0x3FB1]  }
0x31: {  	[smem:$0x3FBA] =	sst s10  }
0x32: {  	s10 =	sld [smem:$0x3FB8];
	_ =	sdelay $0x3  }
0x33: {  	p0 =	seq.s32 s10, $0x1;
	s10 =	sld [smem:$0x3FBA];
	_ =	sdelay $0x3  }
0x34: {  	[smem:$0x3FBA] =	sst s10  }
0x35: {  	s10 =	sld [smem:$0x3FB9];
	_ =	sdelay $0x3  }
0x36: {  	p1 =	seq.s32 s10, $0x1;
	s10 =	sld [smem:$0x3FBA];
	_ =	sdelay $0x3  }
0x37: {  	[smem:$0x3FBA] =	sst s10  }
0x38: {  	s10 =	sld [smem:$0x3FBB]  }
0x39: {  	_ = 	snop;
	(pc) =	sbr.ind lr, $3  }
0x3a: {  	_ = 	snop  }
0x3b: {  	_ = 	snop  }
0x3c: {  	p2 =	seq.s32 s10, $0x1;
	s10 =	sld [smem:$0x3FBA]  }
0x3d: {  	_ =	shalt  }
0x3e: {  	_ =	shalt  }
0x3f: {  	_ =	shalt  }
0x40: {  	_ =	shalt  }
0x41: {  	_ =	shalt  }
0x42: {  	_ =	shalt  }
0x43: {  	_ =	shalt  }
0x44: {  	_ =	shalt  }
0x45: {  	_ =	shalt  }
0x46: {  	_ =	shalt  }
0x47: {  	_ =	shalt  }
0x48: {  	_ =	shalt  }
0x49: {  	_ =	shalt  }
0x4a: {  	_ =	shalt  }
0x4b: {  	_ =	shalt  }
0x4c: {  	_ =	shalt  }
0x4d: {  	_ =	shalt  }
0x4e: {  	_ =	shalt  }
0x4f: {  	_ =	shalt  }
0x50: {  	_ =	shalt  }
0x51: {  	_ =	shalt  }
0x52: {  	_ =	shalt  }
0x53: {  	_ =	shalt  }
0x54: {  	_ =	shalt  }
0x55: {  	_ =	shalt  }
0x56: {  	_ =	shalt  }
0x57: {  	_ =	shalt  }
0x58: {  	_ =	shalt  }
0x59: {  	_ =	shalt  }
0x5a: {  	_ =	shalt  }
0x5b: {  	_ =	shalt  }
0x5c: {  	_ =	shalt  }
0x5d: {  	_ =	shalt  }
0x5e: {  	_ =	shalt  }
0x5f: {  	_ =	shalt  }
0x60: {  	_ =	shalt  }
0x61: {  	_ =	shalt  }
0x62: {  	_ =	shalt  }
0x63: {  	_ =	shalt  }
0x64: {  	_ =	shalt  }
0x65: {  	_ =	shalt  }
0x66: {  	_ =	shalt  }
0x67: {  	_ =	shalt  }
0x68: {  	_ =	shalt  }
0x69: {  	_ =	shalt  }
0x6a: {  	_ =	shalt  }
0x6b: {  	_ =	shalt  }
0x6c: {  	_ =	shalt  }
0x6d: {  	_ =	shalt  }
0x6e: {  	_ =	shalt  }
0x6f: {  	_ =	shalt  }
0x70: {  	_ =	shalt  }
0x71: {  	_ =	shalt  }
0x72: {  	_ =	shalt  }
0x73: {  	_ =	shalt  }
0x74: {  	_ =	shalt  }
0x75: {  	_ =	shalt  }
0x76: {  	_ =	shalt  }
0x77: {  	_ =	shalt  }
0x78: {  	_ =	shalt  }
0x79: {  	_ =	shalt  }
0x7a: {  	_ =	shalt  }
0x7b: {  	_ =	shalt  }
0x7c: {  	_ =	shalt  }
0x7d: {  	_ =	shalt  }
0x7e: {  	_ =	shalt  }
0x7f: {  	_ =	shalt  }
0x80: {  	_ =	shalt  }
0x81: {  	_ =	shalt  }
0x82: {  	_ =	shalt  }
0x83: {  	_ =	shalt  }
0x84: {  	_ =	shalt  }
0x85: {  	_ =	shalt  }
0x86: {  	_ =	shalt  }
0x87: {  	_ =	shalt  }
.Lfunc_end0:
.L_simem_size_0:
called_computation_lowered:
.L_overlay_start_0:
0x88: {  	s2 =	sld [smem:$0x3FD9]  }
0x89: {  	s3 =	sld [smem:$0x3FFE];
	_ =	sdelay $0x1  }
0x8a: {  	s1 =	srdreg.scid  }
0x8b: {  	s0 =	sand.u32 $0x1, s1  }
0x8c: {  	s17 =	sshll.u32 s0, $0xA;
	s2 =	sadd.s32 s3, s2  }
0x8d: {  	s2 =	sadd.s32 s2, s17  }
0x8e: {  	[smem:$0x3FC6] =	sst s2  }
0x8f: {  	_ = 	snop  }
0x90: {  	s2 =	sld [smem:$0x3FC9];
	(tm) =	ssettm $0x1  }
0x91: {  	s18 =	sld [smem:$0x3FFB];
	_ =	sdelay $0x3  }
0x92: {  	_ =	strace s18  }
0x93: {  	s3 =	sld [smem:$0x3FFC];
	_ =	sdelay $0x3  }
0x94: {  	_ =	strace s3  }
0x95: {  	s3 =	sld [smem:$0x3FFD];
	_ =	sdelay $0x3  }
0x96: {  	_ =	strace s3  }
0x97: {  	_ =	strace $0x8FFFFFFF  }
0x98: {  	s19 =	sld [smem:$0x3FDB];
	_ =	sdelay $0x1  }
0x99: {  	s4 =	simm.s32 $_scs_section_size  }
0x9a: {  	s5 =	simm.s32 $_size__tile_overlayer_lowered;
	s6 =	simm.s32 $_tile_overlayer_lowered  }
0x9b: {  	s22 =	simm.s32 $0x1BFF;
	s21 =	sshll.u32 s6, $0x1;
	s3 =	sadd.s32 s4, s19  }
0x9c: {  	s7 =	simm.s32 $0x0;
	s20 =	sshll.u32 s5, $0x1;
	s5 =	sadd.s32 s21, s3  }
0x9d: {  	[timem:s7], [sflag:s22] =	dma.local [hbm:s5], s20  }
0x9e: {  	_ =	swait.ge [sflag:s22], s20  }
0x9f: {  	s4 =	ssub.s32 $0x0, s20;
	[sflag:s22] =	ssyncset.done $0x0  }
0xa0: {  	[sflag:s22] =	ssyncadd.s32 s4;
	_ =	sdelay $0x1  }
0xa1: {  	s23 =	simm.s32 $0x1B8B  }
0xa2: {  	_ =	swait.ge [sflag:s23], $0x1  }
0xa3: {  	[sflag:s23] =	ssyncset.done $0x0  }
0xa4: {  	s25 =	simm.s32 $0x1B8E;
	s24 =	sld [smem:$0x3FFE];
	[sflag:s23] =	ssyncadd.s32 $0xFFFFFFFF  }
0xa5: {  	s26 =	simm.s32 $execute0_lowered;
	[smem:$0x3FD2] =	sst s25  }
0xa6: {  	s5 =	sshll.u32 s26, $0x1;
	_ =	strace $0x80000046;
	[dreg:$0x1] =	wrdreg $0xFFFFFFFF  }
0xa7: {  	s28 =	simm.s32 $_size_execute0_lowered;
	s3 =	sadd.s32 s3, s5;
	[dreg:$0x0] =	wrdreg $0x0  }
0xa8: {  	s5 =	sshll.u32 s28, $0x1;
	[dreg:$0x2] =	wrdreg s3  }
0xa9: {  	[dreg:$0x3] =	wrdreg s5  }
0xaa: {  	[dreg:$0x4] =	wrdreg $0xC0  }
0xab: {  	_ =	task [dreg:s7], $0x5FFFF  }
0xac: {  	[dreg:$0x1] =	wrdreg $0xFFFFFFFF  }
0xad: {  	[dreg:$0x0] =	wrdreg $0x60  }
0xae: {  	[dreg:$0x2] =	wrdreg s24  }
0xaf: {  	[dreg:$0x3] =	wrdreg s2  }
0xb0: {  	[dreg:$0x4] =	wrdreg $0x9  }
0xb1: {  	_ =	task.clear_ibuf [dreg:s7], $0x5FFFF;
	_ =	strace $0x90000046  }
0xb2: {  	s29 =	simm.s32 $0x9;
	_ =	strace $0x80000048  }
0xb3: {  	_ =	swait.ge [sflag:s29], $0x1  }
0xb4: {  	[sflag:s29] =	ssyncadd.s32 $0xFFFFFFFF  }
0xb5: {  	_ =	strace $0x90000048  }
0xb6: {  	_ =	sfence  }
0xb7: {  	s30 =	sld [smem:$0x0];
	_ =	sdelay $0x2  }
0xb8: {  	s31 =	sshll.u32 s1, $0xD;
	s1 =	sshrl.u32 s1, $0x2  }
0xb9: {  	s3 =	sand.u32 $0x4000, s31;
	s1 =	sadd.s32 s1, s30  }
0xba: {  	s0 =	sor.u32 s3, s0;
	s1 =	sshll.u32 s1, $0x11  }
0xbb: {  	s0 =	sor.u32 s1, s0  }
0xbc: {  	s0 =	sadd.s32 $0x8F2B, s0  }
0xbd: {  	[sflag:s0] =	ssyncadd.remote.s32 $0x1  }
0xbe: {  	_ =	sfence.sel $0xFFFF  }
0xbf: {  	[dreg:$0x0] =	wrdreg $0xFFFFFFFF;
	(pc) =	sbr.abs _section_cstart, $3  }
0xc0: {  	[dreg:$0x1] =	wrdreg $0xFFFFFFFF  }
0xc1: {  	_ =	task.clear_ibuf [dreg:s7], $0x2FFFF;
	_ =	strace $0x9FFFFFFF  }
0xc2: {  	(tm) =	ssettm $0x7FFFFFFF  }
0xc3: {  	_ =	shalt  }
tec
execute0_lowered:
.L_overlay_start_1:
0x0: {  	(tag) =	ssettag $0x1  }
0x1: {  	s1 =	srdreg.scid  }
0x2: {  	s0 =	stileid.u32;
	s4 =	rddreg [dreg:$0x0]  }
0x3: {  	s5 =	rddreg [dreg:$0x1];
	s8 =	simm.s32 $0x880;
	s9 =	simm.s32 $0x1080  }
0x4: {  	s10 =	simm.s32 $0x1880;
	s11 =	simm.s32 $0x2080;
	s12 =	simm.s32 $0x2880  }
0x5: {  	s13 =	simm.s32 $0x3080;
	s25 =	simm.s32 $0x4880;
	s14 =	simm.s32 $0x3880  }
0x6: {  	s26 =	simm.s32 $0x5080;
	s15 =	simm.s32 $0x4080;
	s17 =	simm.s32 $0x6080  }
0x7: {  	s18 =	simm.s32 $0x6880;
	s19 =	simm.s32 $0x7080;
	s28 =	simm.s32 $0xB080  }
0x8: {  	s29 =	simm.s32 $0xB880;
	s30 =	simm.s32 $0x1;
	s1 =	sand.u32 $0x1, s1  }
0x9: {  	s31 =	simm.s32 $0x2;
	s2 =	sshll.u32 s0, $0x8;
	s3 =	sshll.u32 s1, $0x7  }
0xa: {  	s1 =	ssub.s32 $0x2, s1;
	s3 =	sor.u32 s3, s2;
	s2 =	simm.s32 $0x0  }
0xb: {  	s7 =	sshrl.u32 s1, $0x1;
	s6 =	sshrl.u32 s3, $0x3;
	[smem:$0x7FF] =	sst s2  }
0xc: {  	s3 =	sshll.u32 s3, $0x6;
	s1 =	ssub.s32 s1, s7;
	s7 =	simm.s32 $0x80  }
0xd: {  	s5 =	sadd.s32 s6, s5;
	_ =	strace $0x80000047;
	[dreg:$0x8] =	wrdreg s25  }
0xe: {  	s20 =	sadd.s32 s3, s4;
	[dreg:$0x9] =	wrdreg s26;
	s5 =	sadd.s32 $0x600, s5  }
0xf: {  	s3 =	sadd.s32 $0xE00, s4;
	s21 =	sadd.s32 $0x10800, s20;
	[dreg:$0x3] =	wrdreg s5  }
0x10: {  	s4 =	sadd.s32 $0xF00, s4;
	s22 =	sadd.s32 $0x11000, s20;
	[dreg:$0x4] =	wrdreg s21  }
0x11: {  	s6 =	simm.s32 $0x4;
	s23 =	sadd.s32 $0x11800, s20;
	[dreg:$0x5] =	wrdreg s22  }
0x12: {  	s25 =	simm.s32 $0xA080;
	s24 =	sadd.s32 $0x12000, s20;
	[dreg:$0x6] =	wrdreg s23  }
0x13: {  	v2 =	vlaneseq.u32;
	s26 =	simm.s32 $0xA880;
	s20 =	simm.s32 $0x7880;
	[dreg:$0x7] =	wrdreg s24  }
0x14: {  	vm0 =	vmmov $0xffff;
	v1 =	vshrl.u32 v2, $0x3;
	s5 =	smax.u32 s1, $0x1;
	s21 =	simm.s32 $0x8080;
	s22 =	simm.s32 $0x8880  }
0x15: {  	v0 =	vand.u32 $0x7, v2;
	v2 =	vor.u32 $0x8, v2;
	v1 =	vmul.u32 $0x8, v1;
	s23 =	simm.s32 $0x9080;
	s24 =	simm.s32 $0x9880;
	s1 =	simm.s32 $0x3  }
.LBB2_1:
0x16: {  	s0 =	rddreg [dreg:$0x3]  }
0x17: {  	[tilespmem:s2], [sflag:$0x4] =	stream.linear.gather [hbm4b:s0+s2], $0x80, $0x38;
	[tilespmem:$0xC080] =	vst v63  }
0x18: {  	_ =	swait.ge [sflag:s6], $0x80  }
0x19: {  	[sflag:s6] =	ssyncset.done $0x0  }
0x1a: {  	[sflag:s6] =	ssyncadd.s32 $0xFFFFFF80  }
0x1b: {  	v3 =	vld [tilespmem:$0x0];
	_ =	sdelay $0x4  }
0x1c: {  	v4 =	vshll.u32 v3, $0x2  }
0x1d: {  	v3 =	vand.u32 $0x7, v3;
	v4 =	vand.u32 $0xFFFFFFE0, v4  }
0x1e: {  	v3 =	vor.u32 v3, v4  }
0x1f: {  	v4 =	vperm.xlane v3, v0;
	_ =	sdelay $0x1  }
0x20: {  	v4 =	vadd.s32 v1, v4;
	_ =	sdelay $0x1  }
0x21: {  	v3 =	vperm.xlane v3, v2;
	_ =	sdelay $0x1  }
0x22: {  	v3 =	vadd.s32 v1, v3  }
0x23: {  	[tilespmem:s7], [sflag:$0x1] =	stream.indirect_vreg.gather [hbm4b:s3+s2], $0x80, v4, vm0, $0xb8;
	[tilespmem:$0xC080] =	vst v63  }
0x24: {  	_ = 	snop  }
0x25: {  	[tilespmem:s8], [sflag:$0x1] =	stream.indirect_vreg.gather [hbm4b:s4+s2], $0x80, v4, vm0, $0xb8;
	[tilespmem:$0xC080] =	vst v63  }
0x26: {  	_ = 	snop  }
0x27: {  	[tilespmem:s9], [sflag:$0x1] =	stream.indirect_vreg.gather [hbm4b:s3+s2], $0x80, v3, vm0, $0xb8;
	[tilespmem:$0xC080] =	vst v63  }
0x28: {  	_ = 	snop  }
0x29: {  	[tilespmem:s10], [sflag:$0x1] =	stream.indirect_vreg.gather [hbm4b:s4+s2], $0x80, v3, vm0, $0xb8;
	[tilespmem:$0xC080] =	vst v63  }
0x2a: {  	v3 =	vld [tilespmem:$0x10];
	_ =	sdelay $0x4  }
0x2b: {  	v57 =	vshll.u32 v3, $0x2  }
0x2c: {  	v3 =	vand.u32 $0x7, v3;
	v4 =	vand.u32 $0xFFFFFFE0, v57  }
0x2d: {  	v3 =	vor.u32 v3, v4  }
0x2e: {  	v4 =	vperm.xlane v3, v0;
	_ =	sdelay $0x1  }
0x2f: {  	v4 =	vadd.s32 v1, v4;
	_ =	sdelay $0x1  }
0x30: {  	v3 =	vperm.xlane v3, v2;
	_ =	sdelay $0x1  }
0x31: {  	v3 =	vadd.s32 v1, v3  }
0x32: {  	[tilespmem:s11], [sflag:$0x1] =	stream.indirect_vreg.gather [hbm4b:s3+s2], $0x80, v4, vm0, $0xb8;
	[tilespmem:$0xC080] =	vst v63  }
0x33: {  	_ = 	snop  }
0x34: {  	[tilespmem:s12], [sflag:$0x1] =	stream.indirect_vreg.gather [hbm4b:s4+s2], $0x80, v4, vm0, $0xb8;
	[tilespmem:$0xC080] =	vst v63  }
0x35: {  	_ = 	snop  }
0x36: {  	[tilespmem:s13], [sflag:$0x1] =	stream.indirect_vreg.gather [hbm4b:s3+s2], $0x80, v3, vm0, $0xb8;
	[tilespmem:$0xC080] =	vst v63  }
0x37: {  	_ = 	snop  }
0x38: {  	[tilespmem:s14], [sflag:$0x1] =	stream.indirect_vreg.gather [hbm4b:s4+s2], $0x80, v3, vm0, $0xb8;
	[tilespmem:$0xC080] =	vst v63  }
0x39: {  	v3 =	vld [tilespmem:$0x20];
	_ =	sdelay $0x4  }
0x3a: {  	v58 =	vshll.u32 v3, $0x2  }
0x3b: {  	v3 =	vand.u32 $0x7, v3;
	v4 =	vand.u32 $0xFFFFFFE0, v58  }
0x3c: {  	v3 =	vor.u32 v3, v4  }
0x3d: {  	v4 =	vperm.xlane v3, v0;
	_ =	sdelay $0x1  }
0x3e: {  	v4 =	vadd.s32 v1, v4;
	_ =	sdelay $0x1  }
0x3f: {  	v3 =	vperm.xlane v3, v2;
	_ =	sdelay $0x1  }
0x40: {  	v3 =	vadd.s32 v1, v3  }
0x41: {  	[tilespmem:s15], [sflag:$0x2] =	stream.indirect_vreg.gather [hbm4b:s3+s2], $0x80, v4, vm0, $0xb8;
	[tilespmem:$0xC080] =	vst v63  }
0x42: {  	s0 =	rddreg [dreg:$0x8]  }
0x43: {  	[tilespmem:s0], [sflag:$0x2] =	stream.indirect_vreg.gather [hbm4b:s4+s2], $0x80, v4, vm0, $0xb8;
	[tilespmem:$0xC080] =	vst v63  }
0x44: {  	s16 =	rddreg [dreg:$0x9]  }
0x45: {  	[tilespmem:s16], [sflag:$0x2] =	stream.indirect_vreg.gather [hbm4b:s3+s2], $0x80, v3, vm0, $0xb8;
	[tilespmem:$0xC080] =	vst v63  }
0x46: {  	s16 =	simm.s32 $0x5880  }
0x47: {  	[tilespmem:s16], [sflag:$0x2] =	stream.indirect_vreg.gather [hbm4b:s4+s2], $0x80, v3, vm0, $0xb8;
	[tilespmem:$0xC080] =	vst v63  }
0x48: {  	v3 =	vld [tilespmem:$0x30];
	_ =	sdelay $0x4  }
0x49: {  	v59 =	vshll.u32 v3, $0x2  }
0x4a: {  	v3 =	vand.u32 $0x7, v3;
	v4 =	vand.u32 $0xFFFFFFE0, v59  }
0x4b: {  	v3 =	vor.u32 v3, v4  }
0x4c: {  	v4 =	vperm.xlane v3, v0;
	_ =	sdelay $0x1  }
0x4d: {  	v4 =	vadd.s32 v1, v4;
	_ =	sdelay $0x1  }
0x4e: {  	v3 =	vperm.xlane v3, v2;
	_ =	sdelay $0x1  }
0x4f: {  	v3 =	vadd.s32 v1, v3  }
0x50: {  	[tilespmem:s17], [sflag:$0x2] =	stream.indirect_vreg.gather [hbm4b:s3+s2], $0x80, v4, vm0, $0xb8;
	[tilespmem:$0xC080] =	vst v63  }
0x51: {  	_ = 	snop  }
0x52: {  	[tilespmem:s18], [sflag:$0x2] =	stream.indirect_vreg.gather [hbm4b:s4+s2], $0x80, v4, vm0, $0xb8;
	[tilespmem:$0xC080] =	vst v63  }
0x53: {  	_ = 	snop  }
0x54: {  	[tilespmem:s19], [sflag:$0x2] =	stream.indirect_vreg.gather [hbm4b:s3+s2], $0x80, v3, vm0, $0xb8;
	[tilespmem:$0xC080] =	vst v63  }
0x55: {  	_ = 	snop  }
0x56: {  	[tilespmem:s20], [sflag:$0x2] =	stream.indirect_vreg.gather [hbm4b:s4+s2], $0x80, v3, vm0, $0xb8;
	[tilespmem:$0xC080] =	vst v63  }
0x57: {  	v3 =	vld [tilespmem:$0x40];
	_ =	sdelay $0x4  }
0x58: {  	v60 =	vshll.u32 v3, $0x2  }
0x59: {  	v3 =	vand.u32 $0x7, v3;
	v4 =	vand.u32 $0xFFFFFFE0, v60  }
0x5a: {  	v3 =	vor.u32 v3, v4  }
0x5b: {  	v4 =	vperm.xlane v3, v0;
	_ =	sdelay $0x1  }
0x5c: {  	v4 =	vadd.s32 v1, v4;
	_ =	sdelay $0x1  }
0x5d: {  	v3 =	vperm.xlane v3, v2;
	_ =	sdelay $0x1  }
0x5e: {  	v3 =	vadd.s32 v1, v3  }
0x5f: {  	[tilespmem:s21], [sflag:$0x3] =	stream.indirect_vreg.gather [hbm4b:s3+s2], $0x80, v4, vm0, $0xb8;
	[tilespmem:$0xC080] =	vst v63  }
0x60: {  	_ = 	snop  }
0x61: {  	[tilespmem:s22], [sflag:$0x3] =	stream.indirect_vreg.gather [hbm4b:s4+s2], $0x80, v4, vm0, $0xb8;
	[tilespmem:$0xC080] =	vst v63  }
0x62: {  	_ = 	snop  }
0x63: {  	[tilespmem:s23], [sflag:$0x3] =	stream.indirect_vreg.gather [hbm4b:s3+s2], $0x80, v3, vm0, $0xb8;
	[tilespmem:$0xC080] =	vst v63  }
0x64: {  	_ = 	snop  }
0x65: {  	[tilespmem:s24], [sflag:$0x3] =	stream.indirect_vreg.gather [hbm4b:s4+s2], $0x80, v3, vm0, $0xb8;
	[tilespmem:$0xC080] =	vst v63  }
0x66: {  	v3 =	vld [tilespmem:$0x50];
	_ =	sdelay $0x4  }
0x67: {  	v61 =	vshll.u32 v3, $0x2  }
0x68: {  	v3 =	vand.u32 $0x7, v3;
	v4 =	vand.u32 $0xFFFFFFE0, v61  }
0x69: {  	v3 =	vor.u32 v3, v4  }
0x6a: {  	v4 =	vperm.xlane v3, v0;
	_ =	sdelay $0x1  }
0x6b: {  	v4 =	vadd.s32 v1, v4;
	_ =	sdelay $0x1  }
0x6c: {  	v3 =	vperm.xlane v3, v2;
	_ =	sdelay $0x1  }
0x6d: {  	v3 =	vadd.s32 v1, v3  }
0x6e: {  	[tilespmem:s25], [sflag:$0x3] =	stream.indirect_vreg.gather [hbm4b:s3+s2], $0x80, v4, vm0, $0xb8;
	[tilespmem:$0xC080] =	vst v63  }
0x6f: {  	_ = 	snop  }
0x70: {  	[tilespmem:s26], [sflag:$0x3] =	stream.indirect_vreg.gather [hbm4b:s4+s2], $0x80, v4, vm0, $0xb8;
	[tilespmem:$0xC080] =	vst v63  }
0x71: {  	_ = 	snop  }
0x72: {  	[tilespmem:s28], [sflag:$0x3] =	stream.indirect_vreg.gather [hbm4b:s3+s2], $0x80, v3, vm0, $0xb8;
	[tilespmem:$0xC080] =	vst v63  }
0x73: {  	_ = 	snop  }
0x74: {  	[tilespmem:s29], [sflag:$0x3] =	stream.indirect_vreg.gather [hbm4b:s4+s2], $0x80, v3, vm0, $0xb8;
	[tilespmem:$0xC080] =	vst v63  }
0x75: {  	_ =	swait.ge [sflag:s30], $0x4000  }
0x76: {  	[sflag:s30] =	ssyncset.done $0x0  }
0x77: {  	s16 =	rddreg [dreg:$0x4];
	[sflag:s30] =	ssyncadd.s32 $0xFFFFC000  }
0x78: {  	[hbm4b:s16+s2] =	stream.linear.scatter [tilespmem:s7], [sflag:$0x4], $0x4000, $0x38;
	[tilespmem:$0xC080] =	vst v63  }
0x79: {  	_ =	swait.ge [sflag:s6], $0x4000  }
0x7a: {  	[sflag:s6] =	ssyncset.done $0x0  }
0x7b: {  	[sflag:s6] =	ssyncadd.s32 $0xFFFFC000  }
0x7c: {  	v3 =	vld [tilespmem:$0x60];
	_ =	sdelay $0x4  }
0x7d: {  	v62 =	vshll.u32 v3, $0x2  }
0x7e: {  	v3 =	vand.u32 $0x7, v3;
	v4 =	vand.u32 $0xFFFFFFE0, v62  }
0x7f: {  	v3 =	vor.u32 v3, v4  }
0x80: {  	v4 =	vperm.xlane v3, v0;
	_ =	sdelay $0x1  }
0x81: {  	v4 =	vadd.s32 v1, v4;
	_ =	sdelay $0x1  }
0x82: {  	v3 =	vperm.xlane v3, v2;
	_ =	sdelay $0x1  }
0x83: {  	v3 =	vadd.s32 v1, v3  }
0x84: {  	[tilespmem:s7], [sflag:$0x1] =	stream.indirect_vreg.gather [hbm4b:s3+s2], $0x80, v4, vm0, $0xb8;
	[tilespmem:$0xC080] =	vst v63  }
0x85: {  	_ = 	snop  }
0x86: {  	[tilespmem:s8], [sflag:$0x1] =	stream.indirect_vreg.gather [hbm4b:s4+s2], $0x80, v4, vm0, $0xb8;
	[tilespmem:$0xC080] =	vst v63  }
0x87: {  	_ = 	snop  }
0x88: {  	[tilespmem:s9], [sflag:$0x1] =	stream.indirect_vreg.gather [hbm4b:s3+s2], $0x80, v3, vm0, $0xb8;
	[tilespmem:$0xC080] =	vst v63  }
0x89: {  	_ = 	snop  }
0x8a: {  	[tilespmem:s10], [sflag:$0x1] =	stream.indirect_vreg.gather [hbm4b:s4+s2], $0x80, v3, vm0, $0xb8;
	[tilespmem:$0xC080] =	vst v63  }
0x8b: {  	v3 =	vld [tilespmem:$0x70];
	_ =	sdelay $0x4  }
0x8c: {  	v63 =	vshll.u32 v3, $0x2  }
0x8d: {  	v3 =	vand.u32 $0x7, v3;
	v4 =	vand.u32 $0xFFFFFFE0, v63  }
0x8e: {  	v3 =	vor.u32 v3, v4  }
0x8f: {  	v4 =	vperm.xlane v3, v0;
	_ =	sdelay $0x1  }
0x90: {  	v4 =	vadd.s32 v1, v4;
	_ =	sdelay $0x1  }
0x91: {  	v3 =	vperm.xlane v3, v2;
	_ =	sdelay $0x1  }
0x92: {  	v3 =	vadd.s32 v1, v3  }
0x93: {  	[tilespmem:s11], [sflag:$0x1] =	stream.indirect_vreg.gather [hbm4b:s3+s2], $0x80, v4, vm0, $0xb8;
	[tilespmem:$0xC080] =	vst v63  }
0x94: {  	_ = 	snop  }
0x95: {  	[tilespmem:s12], [sflag:$0x1] =	stream.indirect_vreg.gather [hbm4b:s4+s2], $0x80, v4, vm0, $0xb8;
	[tilespmem:$0xC080] =	vst v63  }
0x96: {  	_ = 	snop  }
0x97: {  	[tilespmem:s13], [sflag:$0x1] =	stream.indirect_vreg.gather [hbm4b:s3+s2], $0x80, v3, vm0, $0xb8;
	[tilespmem:$0xC080] =	vst v63  }
0x98: {  	_ = 	snop  }
0x99: {  	[tilespmem:s14], [sflag:$0x1] =	stream.indirect_vreg.gather [hbm4b:s4+s2], $0x80, v3, vm0, $0xb8;
	[tilespmem:$0xC080] =	vst v63  }
0x9a: {  	_ =	swait.ge [sflag:s31], $0x4000  }
0x9b: {  	[sflag:s31] =	ssyncset.done $0x0  }
0x9c: {  	s16 =	rddreg [dreg:$0x5];
	[sflag:s31] =	ssyncadd.s32 $0xFFFFC000  }
0x9d: {  	[hbm4b:s16+s2] =	stream.linear.scatter [tilespmem:s15], [sflag:$0x4], $0x4000, $0x38;
	[tilespmem:$0xC080] =	vst v63  }
0x9e: {  	_ =	swait.ge [sflag:s6], $0x4000  }
0x9f: {  	[sflag:s6] =	ssyncset.done $0x0  }
0xa0: {  	[sflag:s6] =	ssyncadd.s32 $0xFFFFC000  }
0xa1: {  	_ =	swait.ge [sflag:s1], $0x4000  }
0xa2: {  	[sflag:s1] =	ssyncset.done $0x0  }
0xa3: {  	s16 =	rddreg [dreg:$0x6];
	[sflag:s1] =	ssyncadd.s32 $0xFFFFC000  }
0xa4: {  	[hbm4b:s16+s2] =	stream.linear.scatter [tilespmem:s21], [sflag:$0x4], $0x4000, $0x38;
	[tilespmem:$0xC080] =	vst v63  }
0xa5: {  	_ =	swait.ge [sflag:s6], $0x4000  }
0xa6: {  	[sflag:s6] =	ssyncset.done $0x0  }
0xa7: {  	[sflag:s6] =	ssyncadd.s32 $0xFFFFC000  }
0xa8: {  	_ =	swait.ge [sflag:s30], $0x4000  }
0xa9: {  	p0 =	sne.s32 s5, $0x1;
	[sflag:s30] =	ssyncset.done $0x0  }
.Ltmp0:
0xaa: {  	s16 =	rddreg [dreg:$0x7];
	[sflag:s30] =	ssyncadd.s32 $0xFFFFC000;
	(pc) =	sbr.rel @p0 .LBB2_1-.Ltmp0, $4  }
0xab: {  	[hbm4b:s16+s2] =	stream.linear.scatter [tilespmem:s7], [sflag:$0x4], $0x4000, $0x38;
	[tilespmem:$0xC080] =	vst v63  }
0xac: {  	_ =	swait.ge [sflag:s6], $0x4000  }
0xad: {  	[sflag:s6] =	ssyncset.done $0x0  }
0xae: {  	s5 =	sadd.s32 $0xFFFFFFFF, s5;
	[sflag:s6] =	ssyncadd.s32 $0xFFFFC000  }
0xaf: {  	_ =	sfence.sel $0x180000  }
0xb0: {  	[bflag:$0x0] =	sbarrier.arrive $0xFFFF  }
0xb1: {  	_ =	strace $0x90000047  }
0xb2: {  	s0 =	stileid.u32;
	[bflag:$0x2] =	sbarrier.arrive $0xFFFF  }
0xb3: {  	p0 =	sne.s32 s0, $0x0;
	s0 =	rddreg [dreg:$0x2]  }
0xb4: {  	s0 =	sadd.s32 @!p0 $0x100000, s0  }
0xb5: {  	[sflag:s0] =	ssyncadd.tile.s32 @!p0 $0x1;
	_ =	shalt  }
.Lfunc_end2:
_tile_overlayer_lowered:
.L_overlay_start_2:
0xb6: {  	(tag) =	ssettag $0x2  }
0xb7: {  	s0 =	rddreg [dreg:$0x0];
	s2 =	stileid.u32  }
0xb8: {  	s1 =	rddreg [dreg:$0x1];
	p0 =	sne.s32 s2, $0x0  }
0xb9: {  	s3 =	rddreg [dreg:$0x2];
	[bflag:$0x3] =	sbarrier.arrive $0xFFFF;
	s2 =	simm.s32 @!p0 $0x1C04  }
0xba: {  	[timem:s3], [sflag:s2] =	dma.local @!p0 [hbm:s0], s1  }
0xbb: {  	s0 =	simm.s32 @!p0 $0x4  }
0xbc: {  	_ =	swait.ge @!p0 [sflag:s0], s1  }
0xbd: {  	s1 =	ssub.s32 @!p0 $0x0, s1;
	[sflag:s0] =	ssyncset.done @!p0 $0x0  }
0xbe: {  	[sflag:s0] =	ssyncadd.s32 @!p0 s1  }
0xbf: {  	[bflag:$0x3] =	sbarrier.arrive $0xFFFF  }
0xc0: {  	_ =	shalt  }

</sc_bundles>
